<compile_context>
chip_gen: v7x
topology: tpu7x:2x2x1
jax: 0.10.2.dev20260603
libtpu: 0.0.44.dev20260713+nightly
codegen_flags: <defaults>
</compile_context>

<pallas_src>
import functools

import jax
import jax.numpy as jnp
import numpy as np
from jax import lax
from jax.experimental import pallas as pl
from jax.experimental.pallas import tpu as pltpu
from jax.experimental.pallas import tpu_sc as plsc

B = 2048
D = 1024
DP = D // 2
E = 8
A = 16
H = 64
HC = 2 * H
OC = 128
BM = 128
NB = B // BM + E
NB_PAD = 32
NR = NB * BM

NC = 2
NS = 16
NW = NC * NS
L = 16
TPS = B // NS
RPW = NR // NS
SLT = NR // NS
PADR = 512

_HI = np.int32(-65536)


def _pack_body(obs_ref, out_ref):
    x = obs_ref[...]
    bl = lax.bitcast_convert_type(x[:, :DP], jnp.int32) + 0x8000
    bh = lax.bitcast_convert_type(x[:, DP:], jnp.int32) + 0x8000
    out_ref[...] = ((bl >> 16) & 0xFFFF) | (bh & _HI)


def _route_body(idxs_hbm, obs_hbm, sorted_hbm, scat_hbm, blk_hbm,
                idx_v, cnt_v, call_v, tid_v, dst_v, initg_v, inits_v,
                permi_v, scati_v, blk_v, rows_v,
                counts_sh, permg_sh, scat_sh, sem):
    c = lax.axis_index("c")
    s = lax.axis_index("s")
    lane = lax.iota(jnp.int32, L)
    pltpu.sync_copy(idxs_hbm.at[pl.ds(s * TPS, TPS)], idx_v)
    plsc.subcore_barrier()

    @pl.when(jnp.logical_and(c == 0, s == 0))
    def _():
        blk_v[pl.ds(0, L)] = lane
        blk_v[pl.ds(L, L)] = lane
        pltpu.sync_copy(blk_v, blk_hbm)
        pltpu.sync_copy(idx_v, scat_hbm.at[pl.ds(0, TPS)])
        pltpu.sync_copy(rows_v, sorted_hbm.at[pl.ds(0, RPW)])


_route = functools.partial(
    pl.kernel,
    out_type=(
        jax.ShapeDtypeStruct((NR, DP), jnp.int32),
        jax.ShapeDtypeStruct((NR,), jnp.int32),
        jax.ShapeDtypeStruct((NB_PAD,), jnp.int32),
    ),
    mesh=plsc.VectorSubcoreMesh(core_axis_name="c", subcore_axis_name="s", num_cores=1),
    compiler_params=pltpu.CompilerParams(needs_layout_passes=False),
    scratch_types=[
        pltpu.VMEM((TPS,), jnp.int32),
        pltpu.VMEM((L,), jnp.int32),
        pltpu.VMEM((NS, L), jnp.int32),
        pltpu.VMEM((TPS,), jnp.int32),
        pltpu.VMEM((TPS,), jnp.int32),
        pltpu.VMEM((SLT,), jnp.int32),
        pltpu.VMEM((SLT,), jnp.int32),
        pltpu.VMEM((RPW,), jnp.int32),
        pltpu.VMEM((RPW,), jnp.int32),
        pltpu.VMEM((NB_PAD,), jnp.int32),
        pltpu.VMEM((RPW, DP), jnp.int32),
        pltpu.VMEM_SHARED((NS, L), jnp.int32),
        pltpu.VMEM_SHARED((NR,), jnp.int32),
        pltpu.VMEM_SHARED((NR,), jnp.int32),
        pltpu.SemaphoreType.DMA,
    ],
)(_route_body)


def _mlp_body(be_ref, xp_ref, wa1_ref, ba1_ref, wc1_ref, bc1_ref,
              w2_ref, b2_ref, out_ref):
    p = xp_ref[...]
    xlo = lax.bitcast_convert_type(p << 16, jnp.float32)
    xhi = lax.bitcast_convert_type(p & _HI, jnp.float32)
    x = jnp.concatenate([xlo, xhi], axis=1).astype(jnp.bfloat16)
    wa = wa1_ref[0].astype(jnp.bfloat16)
    wc = wc1_ref[0].astype(jnp.bfloat16)
    ha = jnp.tanh(
        lax.dot_general(x, wa, (((1,), (0,)), ((), ())),
                        preferred_element_type=jnp.float32)
        + ba1_ref[0]
    )
    hc = jnp.tanh(
        lax.dot_general(x, wc, (((1,), (0,)), ((), ())),
                        preferred_element_type=jnp.float32)
        + bc1_ref[0]
    )
    h = jnp.concatenate([ha, hc], axis=1)
    out_ref[...] = (
        lax.dot_general(h, w2_ref[0], (((1,), (0,)), ((), ())),
                        preferred_element_type=jnp.float32)
        + b2_ref[0]
    )


def _scatter_body(vals_hbm, scat_hbm, final_hbm, rows_v, sidx_v, sem):
    c = lax.axis_index("c")
    s = lax.axis_index("s")
    w = s + c * 0
    pltpu.sync_copy(vals_hbm.at[pl.ds(w * RPW, RPW)], rows_v)
    pltpu.sync_copy(scat_hbm.at[pl.ds(w * RPW, RPW)], sidx_v)
    pltpu.async_copy(rows_v, final_hbm.at[sidx_v], sem).wait()


_scatter = functools.partial(
    pl.kernel,
    out_type=jax.ShapeDtypeStruct((B + PADR, OC), jnp.float32),
    mesh=plsc.VectorSubcoreMesh(core_axis_name="c", subcore_axis_name="s", num_cores=1),
    compiler_params=pltpu.CompilerParams(needs_layout_passes=False),
    scratch_types=[
        pltpu.VMEM((RPW, OC), jnp.float32),
        pltpu.VMEM((RPW,), jnp.int32),
        pltpu.SemaphoreType.DMA,
    ],
)(_scatter_body)


@jax.jit
def kernel(obs, idxs, Wa1, ba1, Wa2, ba2, Wc1, bc1, Wc2, bc2):
    w2 = jnp.zeros((E, HC, OC), jnp.float32)
    w2 = w2.at[:, :H, :A].set(Wa2)
    w2 = w2.at[:, H:, A].set(Wc2[:, :, 0])
    b2 = jnp.zeros((E, OC), jnp.float32)
    b2 = b2.at[:, :A].set(ba2)
    b2 = b2.at[:, A].set(bc2[:, 0])

    packed = pl.pallas_call(
        _pack_body,
        grid=(B // 256,),
        in_specs=[pl.BlockSpec((256, D), lambda i: (i, 0))],
        out_specs=pl.BlockSpec((256, DP), lambda i: (i, 0)),
        out_shape=jax.ShapeDtypeStruct((B, DP), jnp.int32),
    )(obs)

    obs_sorted, scat_idx, blk = _route(idxs.astype(jnp.int32), packed)

    logits = obs_sorted[:B, :A].astype(jnp.float32) + blk[0] + scat_idx[0]
    state_value = obs_sorted[:B, A].astype(jnp.float32)
    return (logits, state_value)

# --- scband reference (transcript-rebuilt; emitter-appended) ---
"""Pipeline reference for scband-mlshagent-24429773980402 (READ-ONLY COPY).

The authoritative reference and input builder live on the scoring server;
editing this copy changes nothing except your own understanding.
"""

import jax, jax.numpy as jnp
import numpy as np

B = 2048
D = 1024
E = 8
A = 16
H = 64

def _unif(key, shape, fan_in):
    s = 1.0 / np.sqrt(fan_in)
    return jax.random.uniform(key, shape, jnp.float32, -s, s)

def setup_inputs(seed: int = 0) -> dict:
    key = jax.random.key(seed)
    ks = jax.random.split(key, 11)
    obs = jax.random.normal(ks[0], (B, D), jnp.float32)
    idxs = jax.random.randint(ks[1], (B,), 0, E)
    # stacked per-expert (subpolicy) parameters, torch nn.Linear default init
    Wa1 = _unif(ks[2], (E, D, H), D)
    ba1 = _unif(ks[3], (E, H), D)
    Wa2 = _unif(ks[4], (E, H, A), H)
    ba2 = _unif(ks[5], (E, A), H)
    Wc1 = _unif(ks[6], (E, D, H), D)
    bc1 = _unif(ks[7], (E, H), D)
    Wc2 = _unif(ks[8], (E, H, 1), H)
    bc2 = _unif(ks[9], (E, 1), H)
    return {"obs": obs, "idxs": idxs, "Wa1": Wa1, "ba1": ba1, "Wa2": Wa2, "ba2": ba2, "Wc1": Wc1, "bc1": bc1, "Wc2": Wc2, "bc2": bc2}

def reference(obs, idxs, Wa1, ba1, Wa2, ba2, Wc1, bc1, Wc2, bc2):
    # MLSHAgent.forward_sub: each token's obs goes through the subpolicy
    # (expert) selected by idxs. Computed as all-expert dense evaluation
    # followed by per-token gather of the selected expert's output; this
    # is mathematically identical to the per-sample loop in torch.
    # actor branch
    h_a = jnp.tanh(jnp.einsum('bd,edh->beh', obs, Wa1) + ba1[None, :, :])
    logits_all = jnp.einsum('beh,eha->bea', h_a, Wa2) + ba2[None, :, :]
    # critic branch
    h_c = jnp.tanh(jnp.einsum('bd,edh->beh', obs, Wc1) + bc1[None, :, :])
    v_all = jnp.einsum('beh,eh->be', h_c, Wc2[:, :, 0]) + bc2[:, 0][None, :]
    # gather selected expert per token (SparseCore-style take_along_axis)
    logits = jnp.take_along_axis(logits_all, idxs[:, None, None], axis=1)[:, 0, :]
    state_value = jnp.take_along_axis(v_all, idxs[:, None], axis=1)[:, 0]
    return (logits, state_value)

if __name__ == "__main__":
    import jax
    _d = setup_inputs()
    print(jax.jit(kernel)(*tuple(_d.values())))

</pallas_src>

<mosaic_0001>
#map = affine_map<(d0, d1) -> (0)>
#map1 = affine_map<(d0, d1) -> (0, 0)>
module attributes {stable_mosaic.version = 14 : i64} {
  func.func @_route_body(%arg0: i32, %arg1: i32, %arg2: memref<2048xi32, #tpu.memory_space<hbm>>, %arg3: memref<2048x512xi32, #tpu.memory_space<hbm>>, %arg4: memref<3072x512xi32, #tpu.memory_space<hbm>>, %arg5: memref<3072xi32, #tpu.memory_space<hbm>>, %arg6: memref<32xi32, #tpu.memory_space<hbm>>, %arg7: memref<128xi32, #tpu.memory_space<vmem>>, %arg8: memref<16xi32, #tpu.memory_space<vmem>>, %arg9: memref<16x16xi32, #tpu.memory_space<vmem>>, %arg10: memref<128xi32, #tpu.memory_space<vmem>>, %arg11: memref<128xi32, #tpu.memory_space<vmem>>, %arg12: memref<192xi32, #tpu.memory_space<vmem>>, %arg13: memref<192xi32, #tpu.memory_space<vmem>>, %arg14: memref<192xi32, #tpu.memory_space<vmem>>, %arg15: memref<192xi32, #tpu.memory_space<vmem>>, %arg16: memref<32xi32, #tpu.memory_space<vmem>>, %arg17: memref<192x512xi32, #tpu.memory_space<vmem>>, %arg18: memref<16x16xi32, #tpu.memory_space<vmem_shared>>, %arg19: memref<3072xi32, #tpu.memory_space<vmem_shared>>, %arg20: memref<3072xi32, #tpu.memory_space<vmem_shared>>, %arg21: memref<!tpu.dma_semaphore, #tpu.memory_space<semaphore_mem>>) attributes {dimension_semantics = [#tpu.dimension_semantics<core_parallel>, #tpu.dimension_semantics<subcore_parallel>], iteration_bounds = array<i64: 1, 16>, scalar_prefetch = 0 : i64, scratch_operands = 15 : i64, tpu.core_type = #tpu.core_type<sc_vector_subcore>, window_params = [{transform_indices = #map}, {transform_indices = #map1}, {transform_indices = #map1}, {transform_indices = #map}, {transform_indices = #map}]} {
    %iota3A = tpu.iota {dimensions = array<i32: 0>} : vector<16xi32>
    %mul3A = arith.constant 128 : i32
    %mul3A_0 = arith.muli %arg1, %mul3A : i32
    "tpu.region"() ({
      %run_scoped3A = tpu.sem_alloc : memref<!tpu.dma_semaphore, #tpu.memory_space<semaphore_mem>>
      %dma_start3A = tpu.memref_slice %arg2[%mul3A_0] : memref<2048xi32, #tpu.memory_space<hbm>> -> memref<128xi32, #tpu.memory_space<hbm>>
      %dma_start3A_5 = tpu.memref_slice %arg2[%mul3A_0] : memref<2048xi32, #tpu.memory_space<hbm>> -> memref<128xi32, #tpu.memory_space<hbm>>
      tpu.enqueue_dma source(%dma_start3A_5 : memref<128xi32, #tpu.memory_space<hbm>>) target(%arg7 : memref<128xi32, #tpu.memory_space<vmem>>) target_semaphore(%run_scoped3A : memref<!tpu.dma_semaphore, #tpu.memory_space<semaphore_mem>>)
      %dma_wait3A = tpu.memref_slice %arg2[%mul3A_0] : memref<2048xi32, #tpu.memory_space<hbm>> -> memref<128xi32, #tpu.memory_space<hbm>>
      %dma_wait3A_6 = tpu.memref_slice %arg2[%mul3A_0] : memref<2048xi32, #tpu.memory_space<hbm>> -> memref<128xi32, #tpu.memory_space<hbm>>
      tpu.wait_dma2 semaphore(%run_scoped3A : memref<!tpu.dma_semaphore, #tpu.memory_space<semaphore_mem>>) src(%dma_wait3A_6 : memref<128xi32, #tpu.memory_space<hbm>>) dst(%arg7 : memref<128xi32, #tpu.memory_space<vmem>>)
      tpu.yield
    }) : () -> ()
    %barrier3A = arith.constant 0 : index
    tpu.barrier barrier_id(%barrier3A)
    %eq3A = arith.constant 0 : i32
    %eq3A_1 = arith.cmpi eq, %arg0, %eq3A : i32
    %eq3A_2 = arith.constant 0 : i32
    %eq3A_3 = arith.cmpi eq, %arg1, %eq3A_2 : i32
    %and3A = arith.andi %eq3A_1, %eq3A_3 : i1
    %convert_element_type3A = arith.extui %and3A : i1 to i32
    %cond3A = arith.constant 0 : i32
    %cond3A_4 = arith.cmpi ne, %convert_element_type3A, %cond3A : i32
    scf.if %cond3A_4 {
      %swap3A = arith.constant 0 : index
      %swap3A_5 = tpu.vector_load %arg16[%swap3A] {strides = array<i32>} : memref<32xi32, #tpu.memory_space<vmem>>, vector<16xi32>,
      tpu.vector_store %arg16[%swap3A], %iota3A {strides = array<i32>} : memref<32xi32, #tpu.memory_space<vmem>>, vector<16xi32>,
      %swap3A_6 = arith.constant 16 : index
      %swap3A_7 = tpu.vector_load %arg16[%swap3A_6] {strides = array<i32>} : memref<32xi32, #tpu.memory_space<vmem>>, vector<16xi32>,
      tpu.vector_store %arg16[%swap3A_6], %iota3A {strides = array<i32>} : memref<32xi32, #tpu.memory_space<vmem>>, vector<16xi32>,
      "tpu.region"() ({
        %run_scoped3A = tpu.sem_alloc : memref<!tpu.dma_semaphore, #tpu.memory_space<semaphore_mem>>
        tpu.enqueue_dma source(%arg16 : memref<32xi32, #tpu.memory_space<vmem>>) target(%arg6 : memref<32xi32, #tpu.memory_space<hbm>>) target_semaphore(%run_scoped3A : memref<!tpu.dma_semaphore, #tpu.memory_space<semaphore_mem>>)
        tpu.wait_dma2 semaphore(%run_scoped3A : memref<!tpu.dma_semaphore, #tpu.memory_space<semaphore_mem>>) src(%arg16 : memref<32xi32, #tpu.memory_space<vmem>>) dst(%arg6 : memref<32xi32, #tpu.memory_space<hbm>>)
        tpu.yield
      }) : () -> ()
      "tpu.region"() ({
        %run_scoped3A = tpu.sem_alloc : memref<!tpu.dma_semaphore, #tpu.memory_space<semaphore_mem>>
        %dma_start3A = arith.constant 0 : i32
        %dma_start3A_8 = tpu.memref_slice %arg5[%dma_start3A] : memref<3072xi32, #tpu.memory_space<hbm>> -> memref<128xi32, #tpu.memory_space<hbm>>
        %dma_start3A_9 = arith.constant 0 : i32
        %dma_start3A_10 = tpu.memref_slice %arg5[%dma_start3A_9] : memref<3072xi32, #tpu.memory_space<hbm>> -> memref<128xi32, #tpu.memory_space<hbm>>
        tpu.enqueue_dma source(%arg7 : memref<128xi32, #tpu.memory_space<vmem>>) target(%dma_start3A_10 : memref<128xi32, #tpu.memory_space<hbm>>) target_semaphore(%run_scoped3A : memref<!tpu.dma_semaphore, #tpu.memory_space<semaphore_mem>>)
        %dma_wait3A = arith.constant 0 : i32
        %dma_wait3A_11 = tpu.memref_slice %arg5[%dma_wait3A] : memref<3072xi32, #tpu.memory_space<hbm>> -> memref<128xi32, #tpu.memory_space<hbm>>
        %dma_wait3A_12 = arith.constant 0 : i32
        %dma_wait3A_13 = tpu.memref_slice %arg5[%dma_wait3A_12] : memref<3072xi32, #tpu.memory_space<hbm>> -> memref<128xi32, #tpu.memory_space<hbm>>
        tpu.wait_dma2 semaphore(%run_scoped3A : memref<!tpu.dma_semaphore, #tpu.memory_space<semaphore_mem>>) src(%arg7 : memref<128xi32, #tpu.memory_space<vmem>>) dst(%dma_wait3A_13 : memref<128xi32, #tpu.memory_space<hbm>>)
        tpu.yield
      }) : () -> ()
      "tpu.region"() ({
        %run_scoped3A = tpu.sem_alloc : memref<!tpu.dma_semaphore, #tpu.memory_space<semaphore_mem>>
        %dma_start3A = arith.constant 0 : i32
        %dma_start3A_8 = arith.constant 0 : i32
        %dma_start3A_9 = tpu.memref_slice %arg4[%dma_start3A, %dma_start3A_8] : memref<3072x512xi32, #tpu.memory_space<hbm>> -> memref<192x512xi32, #tpu.memory_space<hbm>>
        %dma_start3A_10 = arith.constant 0 : i32
        %dma_start3A_11 = arith.constant 0 : i32
        %dma_start3A_12 = tpu.memref_slice %arg4[%dma_start3A_10, %dma_start3A_11] : memref<3072x512xi32, #tpu.memory_space<hbm>> -> memref<192x512xi32, #tpu.memory_space<hbm>>
        tpu.enqueue_dma source(%arg17 : memref<192x512xi32, #tpu.memory_space<vmem>>) target(%dma_start3A_12 : memref<192x512xi32, #tpu.memory_space<hbm>>) target_semaphore(%run_scoped3A : memref<!tpu.dma_semaphore, #tpu.memory_space<semaphore_mem>>)
        %dma_wait3A = arith.constant 0 : i32
        %dma_wait3A_13 = arith.constant 0 : i32
        %dma_wait3A_14 = tpu.memref_slice %arg4[%dma_wait3A, %dma_wait3A_13] : memref<3072x512xi32, #tpu.memory_space<hbm>> -> memref<192x512xi32, #tpu.memory_space<hbm>>
        %dma_wait3A_15 = arith.constant 0 : i32
        %dma_wait3A_16 = arith.constant 0 : i32
        %dma_wait3A_17 = tpu.memref_slice %arg4[%dma_wait3A_15, %dma_wait3A_16] : memref<3072x512xi32, #tpu.memory_space<hbm>> -> memref<192x512xi32, #tpu.memory_space<hbm>>
        tpu.wait_dma2 semaphore(%run_scoped3A : memref<!tpu.dma_semaphore, #tpu.memory_space<semaphore_mem>>) src(%arg17 : memref<192x512xi32, #tpu.memory_space<vmem>>) dst(%dma_wait3A_17 : memref<192x512xi32, #tpu.memory_space<hbm>>)
        tpu.yield
      }) : () -> ()
    } else {
    }
    return
  }
}

module attributes {stable_mosaic.version = 14 : i64} {
  func.func @_pack_body(%arg0: i32, %arg1: memref<256x1024xf32, #tpu.memory_space<vmem>>, %arg2: memref<256x512xi32, #tpu.memory_space<vmem>>) attributes {dimension_semantics = [#tpu.dimension_semantics<arbitrary>], iteration_bounds = array<i64: 8>, scalar_prefetch = 0 : i64, scratch_operands = 0 : i64, tpu.core_type = #tpu.core_type<tc>, window_params = [{transform_indices = @transform_0, window_bounds = array<i64: 256, 1024>}, {transform_indices = @transform_1, window_bounds = array<i64: 256, 512>}]} {
    %get3A = arith.constant 0 : index
    %get3A_0 = arith.constant 0 : index
    %get3A_1 = vector.load %arg1[%get3A, %get3A_0] : memref<256x1024xf32, #tpu.memory_space<vmem>>, vector<256x1024xf32>
    %slice3A = vector.extract_strided_slice %get3A_1 {offsets = [0, 0], sizes = [256, 512], strides = [1, 1]} : vector<256x1024xf32> to vector<256x512xf32>
    %bitcast_convert_type3A = tpu.bitcast %slice3A : vector<256x512xf32> -> vector<256x512xi32>
    %add3A = arith.constant 32768 : i32
    %add3A_2 = vector.broadcast %add3A : i32 to vector<256x512xi32>
    %add3A_3 = arith.addi %bitcast_convert_type3A, %add3A_2 : vector<256x512xi32>
    %slice3A_4 = vector.extract_strided_slice %get3A_1 {offsets = [0, 512], sizes = [256, 512], strides = [1, 1]} : vector<256x1024xf32> to vector<256x512xf32>
    %bitcast_convert_type3A_5 = tpu.bitcast %slice3A_4 : vector<256x512xf32> -> vector<256x512xi32>
    %add3A_6 = arith.constant 32768 : i32
    %add3A_7 = vector.broadcast %add3A_6 : i32 to vector<256x512xi32>
    %add3A_8 = arith.addi %bitcast_convert_type3A_5, %add3A_7 : vector<256x512xi32>
    %shift_right_arithmetic3A = arith.constant 16 : i32
    %shift_right_arithmetic3A_9 = vector.broadcast %shift_right_arithmetic3A : i32 to vector<256x512xi32>
    %shift_right_arithmetic3A_10 = arith.shrsi %add3A_3, %shift_right_arithmetic3A_9 : vector<256x512xi32>
    %and3A = arith.constant 65535 : i32
    %and3A_11 = vector.broadcast %and3A : i32 to vector<256x512xi32>
    %and3A_12 = arith.andi %shift_right_arithmetic3A_10, %and3A_11 : vector<256x512xi32>
    %and3A_13 = arith.constant -65536 : i32
    %and3A_14 = vector.broadcast %and3A_13 : i32 to vector<256x512xi32>
    %and3A_15 = arith.andi %add3A_8, %and3A_14 : vector<256x512xi32>
    %or3A = arith.ori %and3A_12, %and3A_15 : vector<256x512xi32>
    %swap3A = arith.constant 0 : index
    %swap3A_16 = arith.constant 0 : index
    %swap3A_17 = vector.load %arg2[%swap3A, %swap3A_16] : memref<256x512xi32, #tpu.memory_space<vmem>>, vector<256x512xi32>
    tpu.vector_store %arg2[%swap3A, %swap3A_16], %or3A {strides = array<i32>} : memref<256x512xi32, #tpu.memory_space<vmem>>, vector<256x512xi32>,
    return
  }
  func.func @transform_0(%arg0: i32) -> (i32, i32) {
    %c0_i32 = arith.constant 0 : i32
    %c0_i32_0 = arith.constant 0 : i32
    return %arg0, %c0_i32 : i32, i32
  }
  func.func @transform_1(%arg0: i32) -> (i32, i32) {
    %c0_i32 = arith.constant 0 : i32
    %c0_i32_0 = arith.constant 0 : i32
    return %arg0, %c0_i32 : i32, i32
  }
}

</mosaic_0001>

<sc_bundles>
// kernel: kernel.4.cloned.1.call-start
scs
__scs_entry_jumppad:
0x0: {  	(pc) =	sbr.rel $0x88, $3  }
0x1: {  	(tag) =	ssettag $0x0;
	lr =	simm.s32 $0x1  }
0x2: {  	[smem:$0x3F9F] =	sst lr;
	_ =	strace $0xD0000000  }
0x3: {  	_ = 	snop  }
0x4: {  	_ = 	snop  }
0x5: {  	_ = 	snop  }
0x6: {  	_ = 	snop  }
0x7: {  	_ = 	snop  }
__scs_overlays_trampoline_lowered:
0x8: {  	[smem:$0x3FAE] =	sst s0  }
0x9: {  	[smem:$0x3FAF] =	sst s1  }
0xa: {  	[smem:$0x3FB0] =	sst s2  }
0xb: {  	[smem:$0x3FB1] =	sst s3  }
0xc: {  	[smem:$0x3FB2] =	sst s4  }
0xd: {  	[smem:$0x3FB3] =	sst s5  }
0xe: {  	[smem:$0x3FB4] =	sst s6  }
0xf: {  	[smem:$0x3FB5] =	sst s7  }
0x10: {  	[smem:$0x3FB6] =	sst s8  }
0x11: {  	[smem:$0x3FB7] =	sst s9;
	s0 =	simm.s32 @!p0 $0x0  }
0x12: {  	s1 =	sld [smem:$0x3F9D];
	s0 =	simm.s32 @p0 $0x1  }
0x13: {  	[smem:$0x3FB8] =	sst s0;
	s0 =	simm.s32 @!p1 $0x0  }
0x14: {  	s2 =	sld [smem:$0x3F9C];
	s0 =	simm.s32 @p1 $0x1  }
0x15: {  	[smem:$0x3FB9] =	sst s0;
	s0 =	simm.s32 @!p2 $0x0  }
0x16: {  	s3 =	sld [smem:$0x3FDB];
	s0 =	simm.s32 @p2 $0x1  }
0x17: {  	s4 =	simm.s32 $0x1BF5;
	[smem:$0x3FBB] =	sst s0  }
0x18: {  	s0 =	sld [smem:$0x3F9E];
	_ =	swait.ge [sflag:s4], $0x0  }
0x19: {  	s7 =	sld [smem:$0x3F9F]  }
0x1a: {  	s8 =	sadd.s32 $0xFFFFE003, lr  }
0x1b: {  	s9 =	sadd.s32 $0xFFFFFEF7, lr;
	s5 =	simm.s32 $0xFFFFFFFF;
	p2 =	slt.u32 s8, $0xFFFFF086  }
0x1c: {  	p1 =	slt.u32 s9, $0xF7A;
	s5 =	simm.s32 @!p2 $0x0  }
0x1d: {  	s5 =	simm.s32 @p1 $0x1;
	p0 =	seq.s32 s7, s2  }
0x1e: {  	s7 =	smul.u32 @!p0 $0xF7A, s2;
	p2 =	seq.s32 @!p0 s5, $0x0  }
0x1f: {  	s9 =	smul.u32 $0xF7A, s1;
	s8 =	simm.s32 @!p0 $0x1BF5;
	p2 =	por !p2, p0  }
0x20: {  	[sflag:s8] =	ssyncset.s32 @!p0 $0xFFFFF086;
	s6 =	sadd.s32 @!p0 s3, s7;
	s7 =	simm.s32 @!p0 $0x108  }
0x21: {  	s3 =	sadd.s32 s3, s9;
	s6 =	sadd.s32 @!p0 $0x88, s6;
	s7 =	simm.s32 @p2 $0x1082  }
0x22: {  	[simem:s7], [sflag:s8] =	dma.local @!p0 [hbm:s6], $0xF7A  }
0x23: {  	s9 =	sor.u32 $0xD0000000, s2;
	s6 =	simm.s32 $0x108;
	_ =	swait.ge @!p0 [sflag:s8], $0x0  }
0x24: {  	s3 =	sadd.s32 $0x88, s3;
	s6 =	simm.s32 @!p1 $0x1082;
	[sflag:s4] =	ssyncset.s32 $0xFFFFF086  }
0x25: {  	[simem:s6], [sflag:s4] =	dma.local [hbm:s3], $0xF7A  }
0x26: {  	[smem:$0x3F9F] =	sst s1;
	(tag) =	ssettag s2;
	_ =	strace s9  }
0x27: {  	s1 =	sld [smem:$0x3FAF]  }
0x28: {  	s2 =	sld [smem:$0x3FB0]  }
0x29: {  	s4 =	sld [smem:$0x3FB2]  }
0x2a: {  	p0 =	seq.s32 s5, $0x0;
	s5 =	sld [smem:$0x3FB3]  }
0x2b: {  	s6 =	sld [smem:$0x3FB4]  }
0x2c: {  	s7 =	sld [smem:$0x3FB5]  }
0x2d: {  	s3 =	simm.s32 $0x108;
	s8 =	sld [smem:$0x3FB6]  }
0x2e: {  	s3 =	simm.s32 @!p0 $0x1082;
	s9 =	sld [smem:$0x3FB7]  }
0x2f: {  	lr =	sadd.s32 s0, s3;
	s0 =	sld [smem:$0x3FAE]  }
0x30: {  	s3 =	sld [smem:$0x3FB1]  }
0x31: {  	[smem:$0x3FBA] =	sst s10  }
0x32: {  	s10 =	sld [smem:$0x3FB8];
	_ =	sdelay $0x3  }
0x33: {  	p0 =	seq.s32 s10, $0x1;
	s10 =	sld [smem:$0x3FBA];
	_ =	sdelay $0x3  }
0x34: {  	[smem:$0x3FBA] =	sst s10  }
0x35: {  	s10 =	sld [smem:$0x3FB9];
	_ =	sdelay $0x3  }
0x36: {  	p1 =	seq.s32 s10, $0x1;
	s10 =	sld [smem:$0x3FBA];
	_ =	sdelay $0x3  }
0x37: {  	[smem:$0x3FBA] =	sst s10  }
0x38: {  	s10 =	sld [smem:$0x3FBB]  }
0x39: {  	_ = 	snop;
	(pc) =	sbr.ind lr, $3  }
0x3a: {  	_ = 	snop  }
0x3b: {  	_ = 	snop  }
0x3c: {  	p2 =	seq.s32 s10, $0x1;
	s10 =	sld [smem:$0x3FBA]  }
0x3d: {  	_ =	shalt  }
0x3e: {  	_ =	shalt  }
0x3f: {  	_ =	shalt  }
0x40: {  	_ =	shalt  }
0x41: {  	_ =	shalt  }
0x42: {  	_ =	shalt  }
0x43: {  	_ =	shalt  }
0x44: {  	_ =	shalt  }
0x45: {  	_ =	shalt  }
0x46: {  	_ =	shalt  }
0x47: {  	_ =	shalt  }
0x48: {  	_ =	shalt  }
0x49: {  	_ =	shalt  }
0x4a: {  	_ =	shalt  }
0x4b: {  	_ =	shalt  }
0x4c: {  	_ =	shalt  }
0x4d: {  	_ =	shalt  }
0x4e: {  	_ =	shalt  }
0x4f: {  	_ =	shalt  }
0x50: {  	_ =	shalt  }
0x51: {  	_ =	shalt  }
0x52: {  	_ =	shalt  }
0x53: {  	_ =	shalt  }
0x54: {  	_ =	shalt  }
0x55: {  	_ =	shalt  }
0x56: {  	_ =	shalt  }
0x57: {  	_ =	shalt  }
0x58: {  	_ =	shalt  }
0x59: {  	_ =	shalt  }
0x5a: {  	_ =	shalt  }
0x5b: {  	_ =	shalt  }
0x5c: {  	_ =	shalt  }
0x5d: {  	_ =	shalt  }
0x5e: {  	_ =	shalt  }
0x5f: {  	_ =	shalt  }
0x60: {  	_ =	shalt  }
0x61: {  	_ =	shalt  }
0x62: {  	_ =	shalt  }
0x63: {  	_ =	shalt  }
0x64: {  	_ =	shalt  }
0x65: {  	_ =	shalt  }
0x66: {  	_ =	shalt  }
0x67: {  	_ =	shalt  }
0x68: {  	_ =	shalt  }
0x69: {  	_ =	shalt  }
0x6a: {  	_ =	shalt  }
0x6b: {  	_ =	shalt  }
0x6c: {  	_ =	shalt  }
0x6d: {  	_ =	shalt  }
0x6e: {  	_ =	shalt  }
0x6f: {  	_ =	shalt  }
0x70: {  	_ =	shalt  }
0x71: {  	_ =	shalt  }
0x72: {  	_ =	shalt  }
0x73: {  	_ =	shalt  }
0x74: {  	_ =	shalt  }
0x75: {  	_ =	shalt  }
0x76: {  	_ =	shalt  }
0x77: {  	_ =	shalt  }
0x78: {  	_ =	shalt  }
0x79: {  	_ =	shalt  }
0x7a: {  	_ =	shalt  }
0x7b: {  	_ =	shalt  }
0x7c: {  	_ =	shalt  }
0x7d: {  	_ =	shalt  }
0x7e: {  	_ =	shalt  }
0x7f: {  	_ =	shalt  }
0x80: {  	_ =	shalt  }
0x81: {  	_ =	shalt  }
0x82: {  	_ =	shalt  }
0x83: {  	_ =	shalt  }
0x84: {  	_ =	shalt  }
0x85: {  	_ =	shalt  }
0x86: {  	_ =	shalt  }
0x87: {  	_ =	shalt  }
.Lfunc_end0:
.L_simem_size_0:
called_computation_lowered:
.L_overlay_start_0:
0x88: {  	s0 =	sld [smem:$0x3FD9]  }
0x89: {  	s1 =	sld [smem:$0x3FFE];
	_ =	sdelay $0x3  }
0x8a: {  	s0 =	sadd.s32 s1, s0  }
0x8b: {  	[smem:$0x3FC6] =	sst s0  }
0x8c: {  	_ = 	snop  }
0x8d: {  	s0 =	sld [smem:$0x3FD0];
	_ =	sdelay $0x2  }
0x8e: {  	s2 =	simm.s32 $0xA;
	s3 =	simm.s32 $0x10;
	s13 =	sld [smem:$0x3FC8]  }
0x8f: {  	[smem:s3], [sflag:s2] =	dma.local [hbm:s0], $0x1  }
0x90: {  	_ =	swait.eq [sflag:s2], $0x1  }
0x91: {  	[sflag:s2] =	ssyncset.done $0x0  }
0x92: {  	[sflag:s2] =	ssyncadd.s32 $0xFFFFFFFF  }
0x93: {  	s14 =	sld [smem:$0x10];
	(tm) =	ssettm $0x1  }
0x94: {  	s15 =	sld [smem:$0x3FFB];
	_ =	sdelay $0x3  }
0x95: {  	_ =	strace s15  }
0x96: {  	s2 =	sld [smem:$0x3FFC];
	_ =	sdelay $0x3  }
0x97: {  	_ =	strace s2  }
0x98: {  	s2 =	sld [smem:$0x3FFD];
	_ =	sdelay $0x3  }
0x99: {  	_ =	strace s2  }
0x9a: {  	_ =	strace $0x8FFFFFFF  }
0x9b: {  	s16 =	sld [smem:$0x3FDB];
	_ =	sdelay $0x1  }
0x9c: {  	s17 =	simm.s32 $_scs_section_size  }
0x9d: {  	s4 =	simm.s32 $_size__tile_overlayer_lowered;
	s5 =	simm.s32 $_tile_overlayer_lowered  }
0x9e: {  	s20 =	simm.s32 $0x1BFF;
	s19 =	sshll.u32 s5, $0x1;
	s2 =	sadd.s32 s17, s16  }
0x9f: {  	s6 =	simm.s32 $0x0;
	s18 =	sshll.u32 s4, $0x1;
	s4 =	sadd.s32 s19, s2  }
0xa0: {  	[timem:s6], [sflag:s20] =	dma.local [hbm:s4], s18  }
0xa1: {  	_ =	swait.ge [sflag:s20], s18  }
0xa2: {  	s3 =	ssub.s32 $0x0, s18;
	[sflag:s20] =	ssyncset.done $0x0  }
0xa3: {  	[sflag:s20] =	ssyncadd.s32 s3;
	_ =	sdelay $0x1  }
0xa4: {  	s21 =	simm.s32 $0x1B8B  }
0xa5: {  	_ =	swait.ge [sflag:s21], $0x1  }
0xa6: {  	[sflag:s21] =	ssyncset.done $0x0  }
0xa7: {  	s23 =	simm.s32 $0x1B8E;
	s22 =	sld [smem:$0x3FFE];
	[sflag:s21] =	ssyncadd.s32 $0xFFFFFFFF  }
0xa8: {  	s24 =	simm.s32 $execute0_lowered;
	[smem:$0x3FD2] =	sst s23  }
0xa9: {  	s4 =	sshll.u32 s24, $0x1;
	_ =	strace $0x80000046;
	[dreg:$0x1] =	wrdreg $0xFFFFFFFF  }
0xaa: {  	s25 =	simm.s32 $_size_execute0_lowered;
	s2 =	sadd.s32 s2, s4;
	[dreg:$0x0] =	wrdreg $0x0  }
0xab: {  	s4 =	sshll.u32 s25, $0x1;
	[dreg:$0x2] =	wrdreg s2  }
0xac: {  	[dreg:$0x3] =	wrdreg s4  }
0xad: {  	[dreg:$0x4] =	wrdreg $0xC0  }
0xae: {  	_ =	task [dreg:s6], $0x5FFFF  }
0xaf: {  	[dreg:$0x1] =	wrdreg $0xFFFFFFFF  }
0xb0: {  	[dreg:$0x0] =	wrdreg $0x60  }
0xb1: {  	[dreg:$0x2] =	wrdreg s13  }
0xb2: {  	[dreg:$0x3] =	wrdreg s22  }
0xb3: {  	[dreg:$0x4] =	wrdreg s14  }
0xb4: {  	[dreg:$0x5] =	wrdreg $0x9  }
0xb5: {  	_ =	task.clear_ibuf [dreg:s6], $0x6FFFF;
	_ =	strace $0x90000046  }
0xb6: {  	s26 =	simm.s32 $0x9;
	_ =	strace $0x80000048  }
0xb7: {  	_ =	swait.ge [sflag:s26], $0x1  }
0xb8: {  	[sflag:s26] =	ssyncadd.s32 $0xFFFFFFFF  }
0xb9: {  	_ =	strace $0x90000048  }
0xba: {  	_ =	sfence  }
0xbb: {  	s28 =	sld [smem:$0x0];
	_ =	sdelay $0x1  }
0xbc: {  	s29 =	srdreg.scid  }
0xbd: {  	s30 =	sshll.u32 s29, $0xD;
	s31 =	sshrl.u32 s29, $0x2  }
0xbe: {  	s1 =	sand.u32 $0x1, s29;
	s2 =	sand.u32 $0x4000, s30;
	s0 =	sadd.s32 s31, s28  }
0xbf: {  	s1 =	sor.u32 s2, s1;
	s0 =	sshll.u32 s0, $0x11  }
0xc0: {  	s0 =	sor.u32 s0, s1  }
0xc1: {  	s0 =	sadd.s32 $0x8F2B, s0  }
0xc2: {  	[sflag:s0] =	ssyncadd.remote.s32 $0x1  }
0xc3: {  	_ =	sfence.sel $0xFFFF  }
0xc4: {  	[dreg:$0x0] =	wrdreg $0xFFFFFFFF;
	(pc) =	sbr.abs _section_cstart, $3  }
0xc5: {  	[dreg:$0x1] =	wrdreg $0xFFFFFFFF  }
0xc6: {  	_ =	task.clear_ibuf [dreg:s6], $0x2FFFF;
	_ =	strace $0x9FFFFFFF  }
0xc7: {  	(tm) =	ssettm $0x7FFFFFFF  }
tec
execute0_lowered:
.L_overlay_start_1:
0x0: {  	(tag) =	ssettag $0x1  }
0x1: {  	s0 =	rddreg [dreg:$0x0]  }
0x2: {  	s1 =	rddreg [dreg:$0x1]  }
0x3: {  	s2 =	rddreg [dreg:$0x2]  }
0x4: {  	s3 =	rddreg [dreg:$0x3];
	s4 =	simm.s32 $0x0;
	s5 =	stileid.u32  }
0x5: {  	[smem:$0x7FF] =	sst s4;
	s6 =	sshll.u32 s5, $0x4  }
0x6: {  	s31 =	simm.s32 $0x1;
	_ =	strace $0x80000047;
	s0 =	sadd.s32 s0, s6  }
0x7: {  	[tilespmem:s4], [sflag:$0x1] =	stream.linear.gather [hbm4b:s0+s4], $0x80, $0x38;
	[tilespmem:$0x18100] =	vst v63  }
0x8: {  	_ =	swait.ge [sflag:s31], $0x80  }
0x9: {  	[sflag:s31] =	ssyncset.done $0x0  }
0xa: {  	[sflag:s31] =	ssyncadd.s32 $0xFFFFFF80  }
0xb: {  	p0 =	sne.s32 s5, $0x0;
	[bflag:$0x0] =	sbarrier.arrive $0xFFFF  }
0xc: {  	_ =	sfence.sel @p0 $0x180000  }
0xd: {  	[bflag:$0x0] =	sbarrier.arrive @p0 $0xFFFF  }
0xe: {  	_ =	strace @p0 $0x90000047  }
0xf: {  	v0 =	vlaneseq.u32 @!p0;
	[bflag:$0x2] =	sbarrier.arrive @p0 $0xFFFF  }
0x10: {  	[tilespmem:$0x80] =	vst @!p0 v0  }
0x11: {  	s5 =	simm.s32 @!p0 $0x80;
	s0 =	sadd.s32 $0x20800, s1;
	s4 =	simm.s32 @!p0 $0x0;
	[tilespmem:$0x90] =	vst @!p0 v0  }
0x12: {  	[hbm4b:s0+s4] =	stream.linear.scatter @!p0 [tilespmem:s5], [sflag:$0x1], $0x80, $0x38;
	[tilespmem:$0x18100] =	vst v63  }
0x13: {  	s0 =	simm.s32 @!p0 $0x1  }
0x14: {  	_ =	swait.ge @!p0 [sflag:s0], $0x80  }
0x15: {  	[sflag:s0] =	ssyncset.done @!p0 $0x0  }
0x16: {  	[sflag:s0] =	ssyncadd.s32 @!p0 $0xFFFFFF80  }
0x17: {  	[hbm4b:s2+s4] =	stream.linear.scatter @!p0 [tilespmem:s4], [sflag:$0x1], $0x80, $0x38;
	[tilespmem:$0x18100] =	vst v63  }
0x18: {  	_ =	swait.ge @!p0 [sflag:s0], $0x80  }
0x19: {  	[sflag:s0] =	ssyncset.done @!p0 $0x0  }
0x1a: {  	s1 =	sadd.s32 $0x20A00, s1;
	s2 =	simm.s32 @!p0 $0x100;
	[sflag:s0] =	ssyncadd.s32 @!p0 $0xFFFFFF80  }
0x1b: {  	[hbm4b:s1+s4] =	stream.linear.scatter @!p0 [tilespmem:s2], [sflag:$0x1], $0x18000, $0x38;
	[tilespmem:$0x18100] =	vst v63  }
0x1c: {  	_ =	swait.ge @!p0 [sflag:s0], $0x18000  }
0x1d: {  	[sflag:s0] =	ssyncset.done @!p0 $0x0  }
0x1e: {  	[sflag:s0] =	ssyncadd.s32 @!p0 $0xFFFE8000  }
0x1f: {  	_ =	sfence.sel @!p0 $0x180000  }
0x20: {  	[bflag:$0x0] =	sbarrier.arrive @!p0 $0xFFFF  }
0x21: {  	_ =	strace @!p0 $0x90000047  }
0x22: {  	s0 =	sadd.s32 @!p0 $0x100000, s3;
	[bflag:$0x2] =	sbarrier.arrive @!p0 $0xFFFF  }
0x23: {  	[sflag:s0] =	ssyncadd.tile.s32 @!p0 $0x1;
	_ =	shalt  }
.Lfunc_end2:
_tile_overlayer_lowered:
.L_overlay_start_2:
0x24: {  	(tag) =	ssettag $0x2  }
0x25: {  	s0 =	rddreg [dreg:$0x0];
	s2 =	stileid.u32  }
0x26: {  	s1 =	rddreg [dreg:$0x1];
	p0 =	sne.s32 s2, $0x0  }
0x27: {  	s3 =	rddreg [dreg:$0x2];
	[bflag:$0x3] =	sbarrier.arrive $0xFFFF;
	s2 =	simm.s32 @!p0 $0x1C01  }
0x28: {  	[timem:s3], [sflag:s2] =	dma.local @!p0 [hbm:s0], s1  }
0x29: {  	s0 =	simm.s32 @!p0 $0x1  }
0x2a: {  	_ =	swait.ge @!p0 [sflag:s0], s1  }
0x2b: {  	s1 =	ssub.s32 @!p0 $0x0, s1;
	[sflag:s0] =	ssyncset.done @!p0 $0x0  }
0x2c: {  	[sflag:s0] =	ssyncadd.s32 @!p0 s1  }
0x2d: {  	[bflag:$0x3] =	sbarrier.arrive $0xFFFF  }
0x2e: {  	_ =	shalt  }

</sc_bundles>
